<compile_context>
chip_gen: v7x
topology: tpu7x:2x2x1
jax: 0.10.2.dev20260603
libtpu: 0.0.44.dev20260713+nightly
codegen_flags: <defaults>
</compile_context>

<pallas_src>
import functools

import jax
import jax.numpy as jnp
from jax import lax
from jax.experimental import pallas as pl
from jax.experimental.pallas import tpu as pltpu
from jax.experimental.pallas import tpu_sc as plsc

_K = 8192
_D = 32
_N = 8192
_BT = 256
_NBLK = _N // _BT
_COMMIT = 0.25
_ENT_RATIO = 0.1
_TEMP = 0.01


def _vq_block(x_ref, cb_ref, a2_ref, b2_ref, idx_ref, loss_ref,
              acc_ref, sums_ref):
    i = pl.program_id(0)

    @pl.when(i == 0)
    def _init():
        acc_ref[...] = jnp.zeros_like(acc_ref)
        sums_ref[0] = 0.0
        sums_ref[1] = 0.0

    xb = x_ref[...]
    cb = cb_ref[...]
    a2 = a2_ref[...]
    b2 = b2_ref[...]
    ab2 = jax.lax.dot_general(xb * (-2.0), cb, (((1,), (1,)), ((), ())),
                              preferred_element_type=jnp.float32)
    d = (a2 + ab2) + b2

    dmin = jnp.min(d, axis=1, keepdims=True)
    iota = jax.lax.broadcasted_iota(jnp.int32, d.shape, 1)
    idx = jnp.min(jnp.where(d == dmin, iota, _K), axis=1).astype(jnp.int32)
    idx_ref[0, 0, :] = idx

    z = (dmin - d).astype(jnp.bfloat16) * jnp.bfloat16(1.0 / _TEMP)
    e = jnp.exp(z)
    ez = e * z
    ones_col = jnp.ones((_K, 1), jnp.bfloat16)
    s = jax.lax.dot_general(e, ones_col, (((1,), (0,)), ((), ())),
                            preferred_element_type=jnp.float32)
    rs = 1.0 / s
    rs_row = rs.reshape(1, _BT).astype(jnp.bfloat16)
    acc_ref[...] += jax.lax.dot_general(
        rs_row, e, (((1,), (0,)), ((), ())),
        preferred_element_type=jnp.float32)
    pz_vec = jax.lax.dot_general(
        rs_row, ez, (((1,), (0,)), ((), ())),
        preferred_element_type=jnp.float32)
    sums_ref[0] += jnp.sum(pz_vec) - jnp.sum(jnp.log(s))
    sums_ref[1] += jnp.sum(dmin)

    @pl.when(i == _NBLK - 1)
    def _fin():
        avg = acc_ref[...] / _N
        avg_ent = -jnp.sum(avg * jnp.log(avg + 1e-5))
        sample_ent = -(sums_ref[0] / _N)
        mse = sums_ref[1] / (_N * _D)
        loss_ref[0, 0] = (mse * _COMMIT + mse
                          + _ENT_RATIO * (sample_ent - avg_ent))


def _make_sc_gather():
    info = plsc.get_sparse_core_info()
    nw = info.num_cores * info.num_subcores
    b_per_w = _N // nw
    mesh = plsc.VectorSubcoreMesh(core_axis_name="c", subcore_axis_name="s")

    @functools.partial(
        pl.kernel, mesh=mesh,
        out_type=jax.ShapeDtypeStruct((_N, 128), jnp.float32),
        scratch_types=[
            pltpu.VMEM((b_per_w,), jnp.int32),
            pltpu.VMEM((b_per_w, 128), jnp.float32),
            pltpu.SemaphoreType.DMA,
        ],
    )
    def gather_k(table_hbm, idx_hbm, out_hbm, idx_v, rows_v, sem):
        wid = lax.axis_index("s") * info.num_cores + lax.axis_index("c")
        base = wid * b_per_w
        pltpu.sync_copy(idx_hbm.at[pl.ds(base, b_per_w)], idx_v)
        pltpu.async_copy(table_hbm.at[idx_v], rows_v, sem).wait()
        pltpu.sync_copy(rows_v, out_hbm.at[pl.ds(base, b_per_w)])

    return gather_k


_sc_gather = _make_sc_gather()


def kernel(x, codebook):
    codebook = jnp.asarray(codebook, dtype=jnp.float32)
    xf = jnp.reshape(x, (-1, _D))
    a2 = jnp.sum(xf ** 2, axis=1, keepdims=True)
    b2 = jnp.sum(codebook.T ** 2, axis=0, keepdims=True)
    idx, loss = pl.pallas_call(
        _vq_block,
        grid=(_NBLK,),
        in_specs=[
            pl.BlockSpec((_BT, _D), lambda i: (i, 0)),
            pl.BlockSpec((_K, _D), lambda i: (0, 0)),
            pl.BlockSpec((_BT, 1), lambda i: (i, 0)),
            pl.BlockSpec((1, _K), lambda i: (0, 0)),
        ],
        out_specs=[
            pl.BlockSpec((1, 1, _BT), lambda i: (i, 0, 0)),
            pl.BlockSpec(memory_space=pltpu.SMEM, block_shape=(1, 1),
                         index_map=lambda i: (0, 0)),
        ],
        out_shape=[
            jax.ShapeDtypeStruct((_NBLK, 1, _BT), jnp.int32),
            jax.ShapeDtypeStruct((1, 1), jnp.float32),
        ],
        scratch_shapes=[
            pltpu.VMEM((1, _K), jnp.float32),
            pltpu.SMEM((2,), jnp.float32),
        ],
    )(xf, codebook, a2, b2)
    idx_flat = jnp.reshape(idx, (_N,))
    cb_pad = jnp.pad(codebook, ((0, 0), (0, 128 - _D)))
    quant = _sc_gather(cb_pad, idx_flat)[:, :_D]
    quantized = jnp.reshape(quant, x.shape)
    encoding_indices = jnp.reshape(idx, x.shape[:-1])
    return quantized, loss[0, 0], encoding_indices

# --- scband reference (transcript-rebuilt; emitter-appended) ---
"""Pipeline reference for scband-vector-quantizer-17428977287171 (READ-ONLY COPY).

The authoritative reference and input builder live on the scoring server;
editing this copy changes nothing except your own understanding.
"""

import jax, jax.numpy as jnp
import numpy as np

CODEBOOK_SIZE = 8192
CODE_DIM = 32
COMMITMENT_COST = 0.25
ENTROPY_LOSS_RATIO = 0.1
ENTROPY_TEMPERATURE = 0.01


def setup_inputs(seed: int = 0) -> dict:
    key = jax.random.key(seed)
    k1, k2 = jax.random.split(key)
    x = jax.random.normal(k1, (8, 1024, CODE_DIM), dtype=jnp.float32)
    # variance_scaling(scale=1.0, mode='fan_in', distribution='uniform'):
    # limit = sqrt(3 * scale / fan_in)
    limit = float(np.sqrt(3.0 / CODE_DIM))
    codebook = jax.random.uniform(k2, (CODEBOOK_SIZE, CODE_DIM), dtype=jnp.float32, minval=-limit, maxval=limit)
    return {"x": x, "codebook": codebook}


def squared_euclidean_distance(a, b, b2=None):
    if b2 is None:
        b2 = jnp.sum(b.T ** 2, axis=0, keepdims=True)
    a2 = jnp.sum(a ** 2, axis=1, keepdims=True)
    ab = jnp.matmul(a, b.T)
    return a2 - 2 * ab + b2


def entropy_loss_fn(affinity, loss_type='softmax', temperature=1.0):
    flat_affinity = affinity.reshape(-1, affinity.shape[-1])
    flat_affinity = flat_affinity / temperature
    probs = jax.nn.softmax(flat_affinity, axis=-1)
    log_probs = jax.nn.log_softmax(flat_affinity + 1e-05, axis=-1)
    if loss_type == 'softmax':
        target_probs = probs
    elif loss_type == 'argmax':
        codes = jnp.argmax(flat_affinity, axis=-1)
        onehots = jax.nn.one_hot(codes, flat_affinity.shape[-1], dtype=flat_affinity.dtype)
        onehots = probs - jax.lax.stop_gradient(probs - onehots)
        target_probs = onehots
    else:
        raise ValueError('Entropy loss {} not supported'.format(loss_type))
    avg_probs = jnp.mean(target_probs, axis=0)
    avg_entropy = -jnp.sum(avg_probs * jnp.log(avg_probs + 1e-05))
    sample_entropy = -jnp.mean(jnp.sum(target_probs * log_probs, axis=-1))
    return sample_entropy - avg_entropy


def reference(x, codebook):
    codebook = jnp.asarray(codebook, dtype=jnp.float32)
    flat_x = jnp.reshape(x, (-1, x.shape[-1]))
    distances = jnp.reshape(
        squared_euclidean_distance(flat_x, codebook),
        x.shape[:-1] + (CODEBOOK_SIZE,))
    encoding_indices = jnp.argmin(distances, axis=-1)
    encodings = jax.nn.one_hot(encoding_indices, CODEBOOK_SIZE, dtype=jnp.float32)
    quantized = jnp.dot(encodings, codebook)
    # train=True losses
    e_latent_loss = jnp.mean((jax.lax.stop_gradient(quantized) - x) ** 2) * COMMITMENT_COST
    q_latent_loss = jnp.mean((quantized - jax.lax.stop_gradient(x)) ** 2)
    entropy_loss = entropy_loss_fn(-distances, loss_type='softmax', temperature=ENTROPY_TEMPERATURE) * ENTROPY_LOSS_RATIO
    e_latent_loss = jnp.asarray(e_latent_loss, jnp.float32)
    q_latent_loss = jnp.asarray(q_latent_loss, jnp.float32)
    entropy_loss = jnp.asarray(entropy_loss, jnp.float32)
    loss = e_latent_loss + q_latent_loss + entropy_loss
    quantized = x + jax.lax.stop_gradient(quantized - x)
    return (quantized, loss, encoding_indices)

if __name__ == "__main__":
    import jax
    _d = setup_inputs()
    print(jax.jit(kernel)(*tuple(_d.values())))

</pallas_src>

<mosaic_0001>
#map = affine_map<(d0, d1) -> (0, 0)>
#map1 = affine_map<(d0, d1) -> (0)>
module attributes {stable_mosaic.version = 14 : i64} {
  func.func @gather_k(%arg0: i32, %arg1: i32, %arg2: memref<8192x128xf32, #tpu.memory_space<hbm>>, %arg3: memref<8192xi32, #tpu.memory_space<hbm>>, %arg4: memref<8192x128xf32, #tpu.memory_space<hbm>>, %arg5: memref<256xi32, #tpu.memory_space<vmem>>, %arg6: memref<256x128xf32, #tpu.memory_space<vmem>>, %arg7: memref<!tpu.dma_semaphore, #tpu.memory_space<semaphore_mem>>) attributes {dimension_semantics = [#tpu.dimension_semantics<core_parallel>, #tpu.dimension_semantics<subcore_parallel>], iteration_bounds = array<i64: 2, 16>, scalar_prefetch = 0 : i64, scratch_operands = 3 : i64, tpu.core_type = #tpu.core_type<sc_vector_subcore>, window_params = [{transform_indices = #map}, {transform_indices = #map1}, {transform_indices = #map}]} {
    %mul3A = arith.constant 2 : i32
    %mul3A_0 = arith.muli %arg1, %mul3A : i32
    %add3A = arith.addi %mul3A_0, %arg0 : i32
    %mul3A_1 = arith.constant 256 : i32
    %mul3A_2 = arith.muli %add3A, %mul3A_1 : i32
    "tpu.region"() ({
      %run_scoped3A = tpu.sem_alloc : memref<!tpu.dma_semaphore, #tpu.memory_space<semaphore_mem>>
      %dma_start3A_7 = tpu.memref_slice %arg3[%mul3A_2] : memref<8192xi32, #tpu.memory_space<hbm>> -> memref<256xi32, #tpu.memory_space<hbm>>
      %dma_start3A_8 = tpu.memref_slice %arg3[%mul3A_2] : memref<8192xi32, #tpu.memory_space<hbm>> -> memref<256xi32, #tpu.memory_space<hbm>>
      tpu.enqueue_dma source(%dma_start3A_8 : memref<256xi32, #tpu.memory_space<hbm>>) target(%arg5 : memref<256xi32, #tpu.memory_space<vmem>>) target_semaphore(%run_scoped3A : memref<!tpu.dma_semaphore, #tpu.memory_space<semaphore_mem>>)
      %dma_wait3A_9 = tpu.memref_slice %arg3[%mul3A_2] : memref<8192xi32, #tpu.memory_space<hbm>> -> memref<256xi32, #tpu.memory_space<hbm>>
      %dma_wait3A_10 = tpu.memref_slice %arg3[%mul3A_2] : memref<8192xi32, #tpu.memory_space<hbm>> -> memref<256xi32, #tpu.memory_space<hbm>>
      tpu.wait_dma2 semaphore(%run_scoped3A : memref<!tpu.dma_semaphore, #tpu.memory_space<semaphore_mem>>) src(%dma_wait3A_10 : memref<256xi32, #tpu.memory_space<hbm>>) dst(%arg5 : memref<256xi32, #tpu.memory_space<vmem>>)
      tpu.yield
    }) : () -> ()
    %dma_start3A = arith.constant 0 : i32
    %dma_start3A_3 = arith.constant 0 : i32
    %dma_start3A_4 = tpu.memref_slice %arg2[%dma_start3A, %dma_start3A_3] : memref<8192x128xf32, #tpu.memory_space<hbm>> -> memref<8192x128xf32, #tpu.memory_space<hbm>>
    tpu.enqueue_indirect_dma source(%dma_start3A_4 : memref<8192x128xf32, #tpu.memory_space<hbm>>) target(%arg6 : memref<256x128xf32, #tpu.memory_space<vmem>>) offsets(%arg5 : memref<256xi32, #tpu.memory_space<vmem>>) semaphore(%arg7 : memref<!tpu.dma_semaphore, #tpu.memory_space<semaphore_mem>>)
    %dma_wait3A = arith.constant 0 : i32
    %dma_wait3A_5 = arith.constant 0 : i32
    %dma_wait3A_6 = tpu.memref_slice %arg2[%dma_wait3A, %dma_wait3A_5] : memref<8192x128xf32, #tpu.memory_space<hbm>> -> memref<8192x128xf32, #tpu.memory_space<hbm>>
    tpu.wait_indirect_dma semaphore(%arg7 : memref<!tpu.dma_semaphore, #tpu.memory_space<semaphore_mem>>) src(%dma_wait3A_6 : memref<8192x128xf32, #tpu.memory_space<hbm>>) dst(%arg6 : memref<256x128xf32, #tpu.memory_space<vmem>>)
    "tpu.region"() ({
      %run_scoped3A = tpu.sem_alloc : memref<!tpu.dma_semaphore, #tpu.memory_space<semaphore_mem>>
      %dma_start3A_7 = arith.constant 0 : i32
      %dma_start3A_8 = tpu.memref_slice %arg4[%mul3A_2, %dma_start3A_7] : memref<8192x128xf32, #tpu.memory_space<hbm>> -> memref<256x128xf32, #tpu.memory_space<hbm>>
      %dma_start3A_9 = arith.constant 0 : i32
      %dma_start3A_10 = tpu.memref_slice %arg4[%mul3A_2, %dma_start3A_9] : memref<8192x128xf32, #tpu.memory_space<hbm>> -> memref<256x128xf32, #tpu.memory_space<hbm>>
      tpu.enqueue_dma source(%arg6 : memref<256x128xf32, #tpu.memory_space<vmem>>) target(%dma_start3A_10 : memref<256x128xf32, #tpu.memory_space<hbm>>) target_semaphore(%run_scoped3A : memref<!tpu.dma_semaphore, #tpu.memory_space<semaphore_mem>>)
      %dma_wait3A_11 = arith.constant 0 : i32
      %dma_wait3A_12 = tpu.memref_slice %arg4[%mul3A_2, %dma_wait3A_11] : memref<8192x128xf32, #tpu.memory_space<hbm>> -> memref<256x128xf32, #tpu.memory_space<hbm>>
      %dma_wait3A_13 = arith.constant 0 : i32
      %dma_wait3A_14 = tpu.memref_slice %arg4[%mul3A_2, %dma_wait3A_13] : memref<8192x128xf32, #tpu.memory_space<hbm>> -> memref<256x128xf32, #tpu.memory_space<hbm>>
      tpu.wait_dma2 semaphore(%run_scoped3A : memref<!tpu.dma_semaphore, #tpu.memory_space<semaphore_mem>>) src(%arg6 : memref<256x128xf32, #tpu.memory_space<vmem>>) dst(%dma_wait3A_14 : memref<256x128xf32, #tpu.memory_space<hbm>>)
      tpu.yield
    }) : () -> ()
    return
  }
}

module attributes {stable_mosaic.version = 14 : i64} {
  func.func @_vq_block(%arg0: i32, %arg1: memref<256x32xf32, #tpu.memory_space<vmem>>, %arg2: memref<8192x32xf32, #tpu.memory_space<vmem>>, %arg3: memref<256x1xf32, #tpu.memory_space<vmem>>, %arg4: memref<1x8192xf32, #tpu.memory_space<vmem>>, %arg5: memref<1x1x256xi32, #tpu.memory_space<vmem>>, %arg6: memref<1x1xf32, #tpu.memory_space<smem>>, %arg7: memref<1x8192xf32, #tpu.memory_space<vmem>>, %arg8: memref<2xf32, #tpu.memory_space<smem>>) attributes {dimension_semantics = [#tpu.dimension_semantics<arbitrary>], iteration_bounds = array<i64: 32>, scalar_prefetch = 0 : i64, scratch_operands = 2 : i64, tpu.core_type = #tpu.core_type<tc>, window_params = [{transform_indices = @transform_0, window_bounds = array<i64: 256, 32>}, {pipeline_mode = #tpu.pipeline_mode<synchronous>, transform_indices = @transform_1, window_bounds = array<i64: 8192, 32>}, {transform_indices = @transform_2, window_bounds = array<i64: 256, 1>}, {pipeline_mode = #tpu.pipeline_mode<synchronous>, transform_indices = @transform_3, window_bounds = array<i64: 1, 8192>}, {transform_indices = @transform_4, window_bounds = array<i64: 1, 1, 256>}, {transform_indices = @transform_5, window_bounds = array<i64: 1, 1>}]} {
    %eq3A = arith.constant 0 : i32
    %eq3A_0 = arith.cmpi eq, %arg0, %eq3A : i32
    %convert_element_type3A = arith.extui %eq3A_0 : i1 to i32
    %cond3A = arith.constant 0 : i32
    %cond3A_1 = arith.cmpi ne, %convert_element_type3A, %cond3A : i32
    scf.if %cond3A_1 {
      %broadcast_in_dim3A_84 = arith.constant 0.000000e+00 : f32
      %broadcast_in_dim3A_85 = vector.broadcast %broadcast_in_dim3A_84 : f32 to vector<1x8192xf32>
      %swap3A_86 = arith.constant 0 : index
      %swap3A_87 = arith.constant 0 : index
      %swap3A_88 = vector.load %arg7[%swap3A_86, %swap3A_87] : memref<1x8192xf32, #tpu.memory_space<vmem>>, vector<1x8192xf32>
      tpu.vector_store %arg7[%swap3A_86, %swap3A_87], %broadcast_in_dim3A_85 {strides = array<i32>} : memref<1x8192xf32, #tpu.memory_space<vmem>>, vector<1x8192xf32>,
      %swap3A_89 = arith.constant 0.000000e+00 : f32
      %swap3A_90 = arith.constant 0 : index
      %swap3A_91 = memref.load %arg8[%swap3A_90] : memref<2xf32, #tpu.memory_space<smem>>
      memref.store %swap3A_89, %arg8[%swap3A_90] : memref<2xf32, #tpu.memory_space<smem>>
      %swap3A_92 = arith.constant 0.000000e+00 : f32
      %swap3A_93 = arith.constant 1 : index
      %swap3A_94 = memref.load %arg8[%swap3A_93] : memref<2xf32, #tpu.memory_space<smem>>
      memref.store %swap3A_92, %arg8[%swap3A_93] : memref<2xf32, #tpu.memory_space<smem>>
    } else {
    }
    %get3A = arith.constant 0 : index
    %get3A_2 = arith.constant 0 : index
    %get3A_3 = vector.load %arg1[%get3A, %get3A_2] : memref<256x32xf32, #tpu.memory_space<vmem>>, vector<256x32xf32>
    %get3A_4 = arith.constant 0 : index
    %get3A_5 = arith.constant 0 : index
    %get3A_6 = vector.load %arg2[%get3A_4, %get3A_5] : memref<8192x32xf32, #tpu.memory_space<vmem>>, vector<8192x32xf32>
    %get3A_7 = arith.constant 0 : index
    %get3A_8 = arith.constant 0 : index
    %get3A_9 = vector.load %arg3[%get3A_7, %get3A_8] : memref<256x1xf32, #tpu.memory_space<vmem>>, vector<256x1xf32>
    %get3A_10 = arith.constant 0 : index
    %get3A_11 = arith.constant 0 : index
    %get3A_12 = vector.load %arg4[%get3A_10, %get3A_11] : memref<1x8192xf32, #tpu.memory_space<vmem>>, vector<1x8192xf32>
    %mul3A = arith.constant -2.000000e+00 : f32
    %mul3A_13 = vector.broadcast %mul3A : f32 to vector<256x32xf32>
    %mul3A_14 = arith.mulf %get3A_3, %mul3A_13 : vector<256x32xf32>
    %dot_general3A = arith.constant dense<0.000000e+00> : vector<256x8192xf32>
    %dot_general3A_15 = tpu.matmul %mul3A_14, %get3A_6, %dot_general3A {dimension_numbers = #tpu.dot_dimension_numbers<[1], [1], [0], [0], [0, 0, 1, 0], [], []>, transpose_lhs_hint = false} : vector<256x32xf32>, vector<8192x32xf32>, vector<256x8192xf32> -> vector<256x8192xf32>
    %add3A = vector.broadcast %get3A_9 : vector<256x1xf32> to vector<256x8192xf32>
    %add3A_16 = arith.addf %add3A, %dot_general3A_15 : vector<256x8192xf32>
    %add3A_17 = vector.broadcast %get3A_12 : vector<1x8192xf32> to vector<256x8192xf32>
    %add3A_18 = arith.addf %add3A_16, %add3A_17 : vector<256x8192xf32>
    %reduce_min3A = arith.constant dense<0x7F800000> : vector<256xf32>
    %reduce_min3A_19 = vector.multi_reduction <minimumf>, %add3A_18, %reduce_min3A [1] : vector<256x8192xf32> to vector<256xf32>
    %broadcast_in_dim3A = vector.shape_cast %reduce_min3A_19 : vector<256xf32> to vector<256x1xf32>
    %iota3A = tpu.iota {dimensions = array<i32: 1>} : vector<256x8192xi32>
    %eq3A_20 = vector.broadcast %broadcast_in_dim3A : vector<256x1xf32> to vector<256x8192xf32>
    %eq3A_21 = arith.cmpf oeq, %add3A_18, %eq3A_20 : vector<256x8192xf32>
    %jit3A = arith.constant 8192 : i32
    %broadcast_in_dim3A_22 = vector.broadcast %jit3A : i32 to vector<256x8192xi32>
    %select_n3A = arith.select %eq3A_21, %iota3A, %broadcast_in_dim3A_22 : vector<256x8192xi1>, vector<256x8192xi32>
    %reduce_min3A_23 = arith.constant dense<2147483647> : vector<256xi32>
    %reduce_min3A_24 = vector.multi_reduction <minsi>, %select_n3A, %reduce_min3A_23 [1] : vector<256x8192xi32> to vector<256xi32>
    %swap3A = arith.constant 0 : index
    %swap3A_25 = arith.constant 0 : index
    %swap3A_26 = arith.constant 0 : index
    %swap3A_27 = vector.load %arg5[%swap3A, %swap3A_25, %swap3A_26] : memref<1x1x256xi32, #tpu.memory_space<vmem>>, vector<1x1x256xi32>
    %swap3A_28 = vector.shape_cast %swap3A_27 : vector<1x1x256xi32> to vector<256xi32>
    %swap3A_29 = vector.shape_cast %reduce_min3A_24 : vector<256xi32> to vector<1x1x256xi32>
    tpu.vector_store %arg5[%swap3A, %swap3A_25, %swap3A_26], %swap3A_29 {strides = array<i32>} : memref<1x1x256xi32, #tpu.memory_space<vmem>>, vector<1x1x256xi32>,
    %sub3A = vector.broadcast %broadcast_in_dim3A : vector<256x1xf32> to vector<256x8192xf32>
    %sub3A_30 = arith.subf %sub3A, %add3A_18 : vector<256x8192xf32>
    %convert_element_type3A_31 = arith.truncf %sub3A_30 : vector<256x8192xf32> to vector<256x8192xbf16>
    %mul3A_32 = arith.constant 1.000000e+02 : bf16
    %mul3A_33 = vector.broadcast %mul3A_32 : bf16 to vector<256x8192xbf16>
    %mul3A_34 = arith.mulf %convert_element_type3A_31, %mul3A_33 : vector<256x8192xbf16>
    %exp3A = math.exp %mul3A_34 : vector<256x8192xbf16>
    %mul3A_35 = arith.mulf %exp3A, %mul3A_34 : vector<256x8192xbf16>
    %broadcast_in_dim3A_36 = arith.constant 1.000000e+00 : bf16
    %broadcast_in_dim3A_37 = vector.broadcast %broadcast_in_dim3A_36 : bf16 to vector<8192x1xbf16>
    %dot_general3A_38 = arith.constant dense<0.000000e+00> : vector<256x1xf32>
    %dot_general3A_39 = tpu.matmul %exp3A, %broadcast_in_dim3A_37, %dot_general3A_38 {dimension_numbers = #tpu.dot_dimension_numbers<[1], [0], [0], [1], [0, 0, 1, 1], [], []>, transpose_lhs_hint = false} : vector<256x8192xbf16>, vector<8192x1xbf16>, vector<256x1xf32> -> vector<256x1xf32>
    %div3A = arith.constant 1.000000e+00 : f32
    %div3A_40 = vector.broadcast %div3A : f32 to vector<256x1xf32>
    %div3A_41 = arith.divf %div3A_40, %dot_general3A_39 : vector<256x1xf32>
    %reshape3A = vector.shape_cast %div3A_41 : vector<256x1xf32> to vector<1x256xf32>
    %convert_element_type3A_42 = arith.truncf %reshape3A : vector<1x256xf32> to vector<1x256xbf16>
    %get3A_43 = arith.constant 0 : index
    %get3A_44 = arith.constant 0 : index
    %get3A_45 = vector.load %arg7[%get3A_43, %get3A_44] : memref<1x8192xf32, #tpu.memory_space<vmem>>, vector<1x8192xf32>
    %dot_general3A_46 = arith.constant dense<0.000000e+00> : vector<1x8192xf32>
    %dot_general3A_47 = tpu.matmul %convert_element_type3A_42, %exp3A, %dot_general3A_46 {dimension_numbers = #tpu.dot_dimension_numbers<[1], [0], [0], [1], [0, 0, 1, 1], [], []>, transpose_lhs_hint = false} : vector<1x256xbf16>, vector<256x8192xbf16>, vector<1x8192xf32> -> vector<1x8192xf32>
    %add3A_48 = arith.addf %get3A_45, %dot_general3A_47 : vector<1x8192xf32>
    %swap3A_49 = arith.constant 0 : index
    %swap3A_50 = arith.constant 0 : index
    %swap3A_51 = vector.load %arg7[%swap3A_49, %swap3A_50] : memref<1x8192xf32, #tpu.memory_space<vmem>>, vector<1x8192xf32>
    tpu.vector_store %arg7[%swap3A_49, %swap3A_50], %add3A_48 {strides = array<i32>} : memref<1x8192xf32, #tpu.memory_space<vmem>>, vector<1x8192xf32>,
    %dot_general3A_52 = arith.constant dense<0.000000e+00> : vector<1x8192xf32>
    %dot_general3A_53 = tpu.matmul %convert_element_type3A_42, %mul3A_35, %dot_general3A_52 {dimension_numbers = #tpu.dot_dimension_numbers<[1], [0], [0], [1], [0, 0, 1, 1], [], []>, transpose_lhs_hint = false} : vector<1x256xbf16>, vector<256x8192xbf16>, vector<1x8192xf32> -> vector<1x8192xf32>
    %get3A_54 = arith.constant 0 : index
    %get3A_55 = memref.load %arg8[%get3A_54] : memref<2xf32, #tpu.memory_space<smem>>
    %reduce_sum3A = vector.shape_cast %dot_general3A_53 : vector<1x8192xf32> to vector<1x1x8192xf32>
    %reduce_sum3A_56 = arith.constant dense<0.000000e+00> : vector<1xf32>
    %reduce_sum3A_57 = vector.multi_reduction <add>, %reduce_sum3A, %reduce_sum3A_56 [1, 2] : vector<1x1x8192xf32> to vector<1xf32>
    %reduce_sum3A_58 = vector.shape_cast %reduce_sum3A_57 : vector<1xf32> to vector<1x1x1xf32>
    %reduce_sum3A_59 = vector.extract %reduce_sum3A_58[0, 0, 0] : f32 from vector<1x1x1xf32>
    %log3A = math.log %dot_general3A_39 : vector<256x1xf32>
    %reduce_sum3A_60 = vector.shape_cast %log3A : vector<256x1xf32> to vector<1x256x1xf32>
    %reduce_sum3A_61 = arith.constant dense<0.000000e+00> : vector<1xf32>
    %reduce_sum3A_62 = vector.multi_reduction <add>, %reduce_sum3A_60, %reduce_sum3A_61 [1, 2] : vector<1x256x1xf32> to vector<1xf32>
    %reduce_sum3A_63 = vector.shape_cast %reduce_sum3A_62 : vector<1xf32> to vector<1x1x1xf32>
    %reduce_sum3A_64 = vector.extract %reduce_sum3A_63[0, 0, 0] : f32 from vector<1x1x1xf32>
    %sub3A_65 = arith.subf %reduce_sum3A_59, %reduce_sum3A_64 : f32
    %add3A_66 = arith.addf %get3A_55, %sub3A_65 : f32
    %swap3A_67 = arith.constant 0 : index
    %swap3A_68 = memref.load %arg8[%swap3A_67] : memref<2xf32, #tpu.memory_space<smem>>
    memref.store %add3A_66, %arg8[%swap3A_67] : memref<2xf32, #tpu.memory_space<smem>>
    %get3A_69 = arith.constant 1 : index
    %get3A_70 = memref.load %arg8[%get3A_69] : memref<2xf32, #tpu.memory_space<smem>>
    %reduce_sum3A_71 = vector.shape_cast %broadcast_in_dim3A : vector<256x1xf32> to vector<1x256x1xf32>
    %reduce_sum3A_72 = arith.constant dense<0.000000e+00> : vector<1xf32>
    %reduce_sum3A_73 = vector.multi_reduction <add>, %reduce_sum3A_71, %reduce_sum3A_72 [1, 2] : vector<1x256x1xf32> to vector<1xf32>
    %reduce_sum3A_74 = vector.shape_cast %reduce_sum3A_73 : vector<1xf32> to vector<1x1x1xf32>
    %reduce_sum3A_75 = vector.extract %reduce_sum3A_74[0, 0, 0] : f32 from vector<1x1x1xf32>
    %add3A_76 = arith.addf %get3A_70, %reduce_sum3A_75 : f32
    %swap3A_77 = arith.constant 1 : index
    %swap3A_78 = memref.load %arg8[%swap3A_77] : memref<2xf32, #tpu.memory_space<smem>>
    memref.store %add3A_76, %arg8[%swap3A_77] : memref<2xf32, #tpu.memory_space<smem>>
    %eq3A_79 = arith.constant 31 : i32
    %eq3A_80 = arith.cmpi eq, %arg0, %eq3A_79 : i32
    %convert_element_type3A_81 = arith.extui %eq3A_80 : i1 to i32
    %cond3A_82 = arith.constant 0 : i32
    %cond3A_83 = arith.cmpi ne, %convert_element_type3A_81, %cond3A_82 : i32
    scf.if %cond3A_83 {
      %get3A_84 = arith.constant 0 : index
      %get3A_85 = arith.constant 0 : index
      %get3A_86 = vector.load %arg7[%get3A_84, %get3A_85] : memref<1x8192xf32, #tpu.memory_space<vmem>>, vector<1x8192xf32>
      %div3A_87 = arith.constant 8.192000e+03 : f32
      %div3A_88 = vector.broadcast %div3A_87 : f32 to vector<1x8192xf32>
      %div3A_89 = arith.divf %get3A_86, %div3A_88 : vector<1x8192xf32>
      %add3A_90 = arith.constant 9.99999974E-6 : f32
      %add3A_91 = vector.broadcast %add3A_90 : f32 to vector<1x8192xf32>
      %add3A_92 = arith.addf %div3A_89, %add3A_91 : vector<1x8192xf32>
      %log3A_93 = math.log %add3A_92 : vector<1x8192xf32>
      %mul3A_94 = arith.mulf %div3A_89, %log3A_93 : vector<1x8192xf32>
      %reduce_sum3A_95 = vector.shape_cast %mul3A_94 : vector<1x8192xf32> to vector<1x1x8192xf32>
      %reduce_sum3A_96 = arith.constant dense<0.000000e+00> : vector<1xf32>
      %reduce_sum3A_97 = vector.multi_reduction <add>, %reduce_sum3A_95, %reduce_sum3A_96 [1, 2] : vector<1x1x8192xf32> to vector<1xf32>
      %reduce_sum3A_98 = vector.shape_cast %reduce_sum3A_97 : vector<1xf32> to vector<1x1x1xf32>
      %reduce_sum3A_99 = vector.extract %reduce_sum3A_98[0, 0, 0] : f32 from vector<1x1x1xf32>
      %neg3A = arith.constant 0.000000e+00 : f32
      %neg3A_100 = arith.subf %neg3A, %reduce_sum3A_99 : f32
      %get3A_101 = arith.constant 0 : index
      %get3A_102 = memref.load %arg8[%get3A_101] : memref<2xf32, #tpu.memory_space<smem>>
      %div3A_103 = arith.constant 8.192000e+03 : f32
      %div3A_104 = arith.divf %get3A_102, %div3A_103 : f32
      %neg3A_105 = arith.constant 0.000000e+00 : f32
      %neg3A_106 = arith.subf %neg3A_105, %div3A_104 : f32
      %get3A_107 = arith.constant 1 : index
      %get3A_108 = memref.load %arg8[%get3A_107] : memref<2xf32, #tpu.memory_space<smem>>
      %div3A_109 = arith.constant 2.621440e+05 : f32
      %div3A_110 = arith.divf %get3A_108, %div3A_109 : f32
      %mul3A_111 = arith.constant 2.500000e-01 : f32
      %mul3A_112 = arith.mulf %div3A_110, %mul3A_111 : f32
      %add3A_113 = arith.addf %mul3A_112, %div3A_110 : f32
      %sub3A_114 = arith.subf %neg3A_106, %neg3A_100 : f32
      %mul3A_115 = arith.constant 1.000000e-01 : f32
      %mul3A_116 = arith.mulf %mul3A_115, %sub3A_114 : f32
      %add3A_117 = arith.addf %add3A_113, %mul3A_116 : f32
      %swap3A_118 = arith.constant 0 : index
      %swap3A_119 = arith.constant 0 : index
      %swap3A_120 = memref.load %arg6[%swap3A_118, %swap3A_119] : memref<1x1xf32, #tpu.memory_space<smem>>
      memref.store %add3A_117, %arg6[%swap3A_118, %swap3A_119] : memref<1x1xf32, #tpu.memory_space<smem>>
    } else {
    }
    return
  }
  func.func @transform_0(%arg0: i32) -> (i32, i32) {
    %c0_i32 = arith.constant 0 : i32
    %c0_i32_0 = arith.constant 0 : i32
    return %arg0, %c0_i32 : i32, i32
  }
  func.func @transform_1(%arg0: i32) -> (i32, i32) {
    %c0_i32 = arith.constant 0 : i32
    %c0_i32_0 = arith.constant 0 : i32
    %c0_i32_1 = arith.constant 0 : i32
    return %c0_i32, %c0_i32_0 : i32, i32
  }
  func.func @transform_2(%arg0: i32) -> (i32, i32) {
    %c0_i32 = arith.constant 0 : i32
    %c0_i32_0 = arith.constant 0 : i32
    return %arg0, %c0_i32 : i32, i32
  }
  func.func @transform_3(%arg0: i32) -> (i32, i32) {
    %c0_i32 = arith.constant 0 : i32
    %c0_i32_0 = arith.constant 0 : i32
    %c0_i32_1 = arith.constant 0 : i32
    return %c0_i32, %c0_i32_0 : i32, i32
  }
  func.func @transform_4(%arg0: i32) -> (i32, i32, i32) {
    %c0_i32 = arith.constant 0 : i32
    %c0_i32_0 = arith.constant 0 : i32
    %c0_i32_1 = arith.constant 0 : i32
    return %arg0, %c0_i32, %c0_i32_0 : i32, i32, i32
  }
  func.func @transform_5(%arg0: i32) -> (i32, i32) {
    %c0_i32 = arith.constant 0 : i32
    %c0_i32_0 = arith.constant 0 : i32
    %c0_i32_1 = arith.constant 0 : i32
    return %c0_i32, %c0_i32_0 : i32, i32
  }
}

</mosaic_0001>

<sc_bundles>
// kernel: kernel.4.cloned.1.call-start
scs
__scs_entry_jumppad:
0x0: {  	(pc) =	sbr.rel $0x88, $3  }
0x1: {  	(tag) =	ssettag $0x0;
	lr =	simm.s32 $0x1  }
0x2: {  	[smem:$0x3F9F] =	sst lr;
	_ =	strace $0xD0000000  }
0x3: {  	_ = 	snop  }
0x4: {  	_ = 	snop  }
0x5: {  	_ = 	snop  }
0x6: {  	_ = 	snop  }
0x7: {  	_ = 	snop  }
__scs_overlays_trampoline_lowered:
0x8: {  	[smem:$0x3FAE] =	sst s0  }
0x9: {  	[smem:$0x3FAF] =	sst s1  }
0xa: {  	[smem:$0x3FB0] =	sst s2  }
0xb: {  	[smem:$0x3FB1] =	sst s3  }
0xc: {  	[smem:$0x3FB2] =	sst s4  }
0xd: {  	[smem:$0x3FB3] =	sst s5  }
0xe: {  	[smem:$0x3FB4] =	sst s6  }
0xf: {  	[smem:$0x3FB5] =	sst s7  }
0x10: {  	[smem:$0x3FB6] =	sst s8  }
0x11: {  	[smem:$0x3FB7] =	sst s9;
	s0 =	simm.s32 @!p0 $0x0  }
0x12: {  	s1 =	sld [smem:$0x3F9D];
	s0 =	simm.s32 @p0 $0x1  }
0x13: {  	[smem:$0x3FB8] =	sst s0;
	s0 =	simm.s32 @!p1 $0x0  }
0x14: {  	s2 =	sld [smem:$0x3F9C];
	s0 =	simm.s32 @p1 $0x1  }
0x15: {  	[smem:$0x3FB9] =	sst s0;
	s0 =	simm.s32 @!p2 $0x0  }
0x16: {  	s3 =	sld [smem:$0x3FDB];
	s0 =	simm.s32 @p2 $0x1  }
0x17: {  	s4 =	simm.s32 $0x1BF5;
	[smem:$0x3FBB] =	sst s0  }
0x18: {  	s0 =	sld [smem:$0x3F9E];
	_ =	swait.ge [sflag:s4], $0x0  }
0x19: {  	s7 =	sld [smem:$0x3F9F]  }
0x1a: {  	s8 =	sadd.s32 $0xFFFFE003, lr  }
0x1b: {  	s9 =	sadd.s32 $0xFFFFFEF7, lr;
	s5 =	simm.s32 $0xFFFFFFFF;
	p2 =	slt.u32 s8, $0xFFFFF086  }
0x1c: {  	p1 =	slt.u32 s9, $0xF7A;
	s5 =	simm.s32 @!p2 $0x0  }
0x1d: {  	s5 =	simm.s32 @p1 $0x1;
	p0 =	seq.s32 s7, s2  }
0x1e: {  	s7 =	smul.u32 @!p0 $0xF7A, s2;
	p2 =	seq.s32 @!p0 s5, $0x0  }
0x1f: {  	s9 =	smul.u32 $0xF7A, s1;
	s8 =	simm.s32 @!p0 $0x1BF5;
	p2 =	por !p2, p0  }
0x20: {  	[sflag:s8] =	ssyncset.s32 @!p0 $0xFFFFF086;
	s6 =	sadd.s32 @!p0 s3, s7;
	s7 =	simm.s32 @!p0 $0x108  }
0x21: {  	s3 =	sadd.s32 s3, s9;
	s6 =	sadd.s32 @!p0 $0x88, s6;
	s7 =	simm.s32 @p2 $0x1082  }
0x22: {  	[simem:s7], [sflag:s8] =	dma.local @!p0 [hbm:s6], $0xF7A  }
0x23: {  	s9 =	sor.u32 $0xD0000000, s2;
	s6 =	simm.s32 $0x108;
	_ =	swait.ge @!p0 [sflag:s8], $0x0  }
0x24: {  	s3 =	sadd.s32 $0x88, s3;
	s6 =	simm.s32 @!p1 $0x1082;
	[sflag:s4] =	ssyncset.s32 $0xFFFFF086  }
0x25: {  	[simem:s6], [sflag:s4] =	dma.local [hbm:s3], $0xF7A  }
0x26: {  	[smem:$0x3F9F] =	sst s1;
	(tag) =	ssettag s2;
	_ =	strace s9  }
0x27: {  	s1 =	sld [smem:$0x3FAF]  }
0x28: {  	s2 =	sld [smem:$0x3FB0]  }
0x29: {  	s4 =	sld [smem:$0x3FB2]  }
0x2a: {  	p0 =	seq.s32 s5, $0x0;
	s5 =	sld [smem:$0x3FB3]  }
0x2b: {  	s6 =	sld [smem:$0x3FB4]  }
0x2c: {  	s7 =	sld [smem:$0x3FB5]  }
0x2d: {  	s3 =	simm.s32 $0x108;
	s8 =	sld [smem:$0x3FB6]  }
0x2e: {  	s3 =	simm.s32 @!p0 $0x1082;
	s9 =	sld [smem:$0x3FB7]  }
0x2f: {  	lr =	sadd.s32 s0, s3;
	s0 =	sld [smem:$0x3FAE]  }
0x30: {  	s3 =	sld [smem:$0x3FB1]  }
0x31: {  	[smem:$0x3FBA] =	sst s10  }
0x32: {  	s10 =	sld [smem:$0x3FB8];
	_ =	sdelay $0x3  }
0x33: {  	p0 =	seq.s32 s10, $0x1;
	s10 =	sld [smem:$0x3FBA];
	_ =	sdelay $0x3  }
0x34: {  	[smem:$0x3FBA] =	sst s10  }
0x35: {  	s10 =	sld [smem:$0x3FB9];
	_ =	sdelay $0x3  }
0x36: {  	p1 =	seq.s32 s10, $0x1;
	s10 =	sld [smem:$0x3FBA];
	_ =	sdelay $0x3  }
0x37: {  	[smem:$0x3FBA] =	sst s10  }
0x38: {  	s10 =	sld [smem:$0x3FBB]  }
0x39: {  	_ = 	snop;
	(pc) =	sbr.ind lr, $3  }
0x3a: {  	_ = 	snop  }
0x3b: {  	_ = 	snop  }
0x3c: {  	p2 =	seq.s32 s10, $0x1;
	s10 =	sld [smem:$0x3FBA]  }
0x3d: {  	_ =	shalt  }
0x3e: {  	_ =	shalt  }
0x3f: {  	_ =	shalt  }
0x40: {  	_ =	shalt  }
0x41: {  	_ =	shalt  }
0x42: {  	_ =	shalt  }
0x43: {  	_ =	shalt  }
0x44: {  	_ =	shalt  }
0x45: {  	_ =	shalt  }
0x46: {  	_ =	shalt  }
0x47: {  	_ =	shalt  }
0x48: {  	_ =	shalt  }
0x49: {  	_ =	shalt  }
0x4a: {  	_ =	shalt  }
0x4b: {  	_ =	shalt  }
0x4c: {  	_ =	shalt  }
0x4d: {  	_ =	shalt  }
0x4e: {  	_ =	shalt  }
0x4f: {  	_ =	shalt  }
0x50: {  	_ =	shalt  }
0x51: {  	_ =	shalt  }
0x52: {  	_ =	shalt  }
0x53: {  	_ =	shalt  }
0x54: {  	_ =	shalt  }
0x55: {  	_ =	shalt  }
0x56: {  	_ =	shalt  }
0x57: {  	_ =	shalt  }
0x58: {  	_ =	shalt  }
0x59: {  	_ =	shalt  }
0x5a: {  	_ =	shalt  }
0x5b: {  	_ =	shalt  }
0x5c: {  	_ =	shalt  }
0x5d: {  	_ =	shalt  }
0x5e: {  	_ =	shalt  }
0x5f: {  	_ =	shalt  }
0x60: {  	_ =	shalt  }
0x61: {  	_ =	shalt  }
0x62: {  	_ =	shalt  }
0x63: {  	_ =	shalt  }
0x64: {  	_ =	shalt  }
0x65: {  	_ =	shalt  }
0x66: {  	_ =	shalt  }
0x67: {  	_ =	shalt  }
0x68: {  	_ =	shalt  }
0x69: {  	_ =	shalt  }
0x6a: {  	_ =	shalt  }
0x6b: {  	_ =	shalt  }
0x6c: {  	_ =	shalt  }
0x6d: {  	_ =	shalt  }
0x6e: {  	_ =	shalt  }
0x6f: {  	_ =	shalt  }
0x70: {  	_ =	shalt  }
0x71: {  	_ =	shalt  }
0x72: {  	_ =	shalt  }
0x73: {  	_ =	shalt  }
0x74: {  	_ =	shalt  }
0x75: {  	_ =	shalt  }
0x76: {  	_ =	shalt  }
0x77: {  	_ =	shalt  }
0x78: {  	_ =	shalt  }
0x79: {  	_ =	shalt  }
0x7a: {  	_ =	shalt  }
0x7b: {  	_ =	shalt  }
0x7c: {  	_ =	shalt  }
0x7d: {  	_ =	shalt  }
0x7e: {  	_ =	shalt  }
0x7f: {  	_ =	shalt  }
0x80: {  	_ =	shalt  }
0x81: {  	_ =	shalt  }
0x82: {  	_ =	shalt  }
0x83: {  	_ =	shalt  }
0x84: {  	_ =	shalt  }
0x85: {  	_ =	shalt  }
0x86: {  	_ =	shalt  }
0x87: {  	_ =	shalt  }
.Lfunc_end0:
.L_simem_size_0:
called_computation_lowered:
.L_overlay_start_0:
0x88: {  	s2 =	sld [smem:$0x3FD9]  }
0x89: {  	s3 =	sld [smem:$0x3FFE];
	_ =	sdelay $0x1  }
0x8a: {  	s1 =	srdreg.scid  }
0x8b: {  	s0 =	sand.u32 $0x1, s1  }
0x8c: {  	s14 =	sshll.u32 s0, $0xA;
	s2 =	sadd.s32 s3, s2  }
0x8d: {  	s2 =	sadd.s32 s2, s14  }
0x8e: {  	[smem:$0x3FC6] =	sst s2  }
0x8f: {  	_ = 	snop  }
0x90: {  	s2 =	sld [smem:$0x3FD0];
	_ =	sdelay $0x2  }
0x91: {  	s15 =	simm.s32 $0xA;
	s4 =	simm.s32 $0x10  }
0x92: {  	[smem:s4], [sflag:s15] =	dma.local [hbm:s2], $0x1  }
0x93: {  	_ =	swait.eq [sflag:s15], $0x1  }
0x94: {  	[sflag:s15] =	ssyncset.done $0x0  }
0x95: {  	[sflag:s15] =	ssyncadd.s32 $0xFFFFFFFF  }
0x96: {  	s16 =	sld [smem:$0x10];
	(tm) =	ssettm $0x1  }
0x97: {  	s17 =	sld [smem:$0x3FFB];
	_ =	sdelay $0x3  }
0x98: {  	_ =	strace s17  }
0x99: {  	s3 =	sld [smem:$0x3FFC];
	_ =	sdelay $0x3  }
0x9a: {  	_ =	strace s3  }
0x9b: {  	s3 =	sld [smem:$0x3FFD];
	_ =	sdelay $0x3  }
0x9c: {  	_ =	strace s3  }
0x9d: {  	_ =	strace $0x8FFFFFFF  }
0x9e: {  	s18 =	sld [smem:$0x3FDB];
	_ =	sdelay $0x1  }
0x9f: {  	s19 =	simm.s32 $_scs_section_size  }
0xa0: {  	s5 =	simm.s32 $_size__tile_overlayer_lowered;
	s6 =	simm.s32 $_tile_overlayer_lowered  }
0xa1: {  	s22 =	simm.s32 $0x1BFF;
	s21 =	sshll.u32 s6, $0x1;
	s3 =	sadd.s32 s19, s18  }
0xa2: {  	s7 =	simm.s32 $0x0;
	s20 =	sshll.u32 s5, $0x1;
	s5 =	sadd.s32 s21, s3  }
0xa3: {  	[timem:s7], [sflag:s22] =	dma.local [hbm:s5], s20  }
0xa4: {  	_ =	swait.ge [sflag:s22], s20  }
0xa5: {  	s4 =	ssub.s32 $0x0, s20;
	[sflag:s22] =	ssyncset.done $0x0  }
0xa6: {  	[sflag:s22] =	ssyncadd.s32 s4;
	_ =	sdelay $0x1  }
0xa7: {  	s23 =	simm.s32 $0x1B8B  }
0xa8: {  	_ =	swait.ge [sflag:s23], $0x1  }
0xa9: {  	[sflag:s23] =	ssyncset.done $0x0  }
0xaa: {  	s25 =	simm.s32 $0x1B8E;
	s24 =	sld [smem:$0x3FFE];
	[sflag:s23] =	ssyncadd.s32 $0xFFFFFFFF  }
0xab: {  	s26 =	simm.s32 $execute0_lowered;
	[smem:$0x3FD2] =	sst s25  }
0xac: {  	s5 =	sshll.u32 s26, $0x1;
	_ =	strace $0x80000046;
	[dreg:$0x1] =	wrdreg $0xFFFFFFFF  }
0xad: {  	s28 =	simm.s32 $_size_execute0_lowered;
	s3 =	sadd.s32 s3, s5;
	[dreg:$0x0] =	wrdreg $0x0  }
0xae: {  	s5 =	sshll.u32 s28, $0x1;
	[dreg:$0x2] =	wrdreg s3  }
0xaf: {  	[dreg:$0x3] =	wrdreg s5  }
0xb0: {  	[dreg:$0x4] =	wrdreg $0xC0  }
0xb1: {  	_ =	task [dreg:s7], $0x5FFFF  }
0xb2: {  	[dreg:$0x1] =	wrdreg $0xFFFFFFFF  }
0xb3: {  	[dreg:$0x0] =	wrdreg $0x60  }
0xb4: {  	[dreg:$0x2] =	wrdreg s24  }
0xb5: {  	[dreg:$0x3] =	wrdreg s16  }
0xb6: {  	[dreg:$0x4] =	wrdreg $0x9  }
0xb7: {  	_ =	task.clear_ibuf [dreg:s7], $0x5FFFF;
	_ =	strace $0x90000046  }
0xb8: {  	s29 =	simm.s32 $0x9;
	_ =	strace $0x80000048  }
0xb9: {  	_ =	swait.ge [sflag:s29], $0x1  }
0xba: {  	[sflag:s29] =	ssyncadd.s32 $0xFFFFFFFF  }
0xbb: {  	_ =	strace $0x90000048  }
0xbc: {  	_ =	sfence  }
0xbd: {  	s30 =	sld [smem:$0x0];
	_ =	sdelay $0x2  }
0xbe: {  	s31 =	sshll.u32 s1, $0xD;
	s1 =	sshrl.u32 s1, $0x2  }
0xbf: {  	s3 =	sand.u32 $0x4000, s31;
	s1 =	sadd.s32 s1, s30  }
0xc0: {  	s0 =	sor.u32 s3, s0;
	s1 =	sshll.u32 s1, $0x11  }
0xc1: {  	s0 =	sor.u32 s1, s0  }
0xc2: {  	s0 =	sadd.s32 $0x8F2B, s0  }
0xc3: {  	[sflag:s0] =	ssyncadd.remote.s32 $0x1  }
0xc4: {  	_ =	sfence.sel $0xFFFF  }
0xc5: {  	[dreg:$0x0] =	wrdreg $0xFFFFFFFF;
	(pc) =	sbr.abs _section_cstart, $3  }
0xc6: {  	[dreg:$0x1] =	wrdreg $0xFFFFFFFF  }
0xc7: {  	_ =	task.clear_ibuf [dreg:s7], $0x2FFFF;
	_ =	strace $0x9FFFFFFF  }
0xc8: {  	(tm) =	ssettm $0x7FFFFFFF  }
0xc9: {  	_ =	shalt  }
tec
execute0_lowered:
.L_overlay_start_1:
0x0: {  	(tag) =	ssettag $0x1  }
0x1: {  	s1 =	srdreg.scid;
	s2 =	rddreg [dreg:$0x0]  }
0x2: {  	s0 =	stileid.u32;
	s4 =	rddreg [dreg:$0x1];
	s6 =	sand.u32 $0x1, s1  }
0x3: {  	s3 =	simm.s32 $0x0;
	s5 =	sshll.u32 s0, $0x9;
	s7 =	sshll.u32 s6, $0x8  }
0x4: {  	[smem:$0x7FF] =	sst s3;
	s8 =	sor.u32 s7, s5  }
0x5: {  	s1 =	rddreg [dreg:$0x2];
	_ =	strace $0x80000047;
	s5 =	sshrl.u32 s8, $0x3  }
0x6: {  	s9 =	ssub.s32 $0x2, s6;
	s5 =	sadd.s32 s4, s5;
	s4 =	simm.s32 $0x2  }
0x7: {  	[tilespmem:s3], [sflag:$0x2] =	stream.linear.gather [hbm4b:s5+s3], $0x100, $0x38;
	[tilespmem:$0x8100] =	vst v63  }
0x8: {  	s10 =	sshrl.u32 s9, $0x1;
	_ =	swait.ge [sflag:s4], $0x100  }
0x9: {  	s6 =	simm.s32 $0x100;
	s9 =	ssub.s32 s9, s10;
	[sflag:s4] =	ssyncset.done $0x0  }
0xa: {  	s7 =	simm.s32 $0x1;
	s9 =	smax.u32 s9, $0x1;
	[sflag:s4] =	ssyncadd.s32 $0xFFFFFF00  }
0xb: {  	[tilespmem:s6], [sflag:$0x1] =	stream.indirect.gather [hbm4b:s2+s6], $0x80, s3, s6, $0xb8;
	[tilespmem:$0x8100] =	vst v63  }
0xc: {  	s8 =	sshll.u32 s8, $0x4;
	p0 =	sne.s32 s9, $0x1;
	_ =	swait.ge [sflag:s7], $0x8000  }
.Ltmp0:
0xd: {  	s8 =	sadd.s32 s8, s2;
	[sflag:s7] =	ssyncset.done $0x0;
	(pc) =	sbr.rel @!p0 .LBB2_2-.Ltmp0, $4  }
0xe: {  	s8 =	sadd.s32 $0x20000, s8;
	[sflag:s7] =	ssyncadd.s32 $0xFFFF8000  }
0xf: {  	[hbm4b:s8+s3] =	stream.linear.scatter [tilespmem:s6], [sflag:$0x2], $0x8000, $0x38;
	[tilespmem:$0x8100] =	vst v63  }
0x10: {  	_ =	swait.ge [sflag:s4], $0x8000  }
0x11: {  	s9 =	sadd.s32 $0xFFFFFFFF, s9;
	[sflag:s4] =	ssyncset.done $0x0  }
.LBB2_1:
0x12: {  	p0 =	sne.s32 s9, $0x1;
	s9 =	sadd.s32 $0xFFFFFFFF, s9;
	[sflag:s4] =	ssyncadd.s32 $0xFFFF8000  }
0x13: {  	[tilespmem:s3], [sflag:$0x2] =	stream.linear.gather [hbm4b:s5+s3], $0x100, $0x38;
	[tilespmem:$0x8100] =	vst v63  }
0x14: {  	_ =	swait.ge [sflag:s4], $0x100  }
0x15: {  	[sflag:s4] =	ssyncset.done $0x0  }
0x16: {  	[sflag:s4] =	ssyncadd.s32 $0xFFFFFF00  }
0x17: {  	[tilespmem:s6], [sflag:$0x1] =	stream.indirect.gather [hbm4b:s2+s6], $0x80, s3, s6, $0xb8;
	[tilespmem:$0x8100] =	vst v63  }
0x18: {  	_ =	swait.ge [sflag:s7], $0x8000  }
.Ltmp1:
0x19: {  	[sflag:s7] =	ssyncset.done $0x0;
	(pc) =	sbr.rel @p0 .LBB2_1-.Ltmp1, $4  }
0x1a: {  	[sflag:s7] =	ssyncadd.s32 $0xFFFF8000  }
0x1b: {  	[hbm4b:s8+s3] =	stream.linear.scatter [tilespmem:s6], [sflag:$0x2], $0x8000, $0x38;
	[tilespmem:$0x8100] =	vst v63  }
0x1c: {  	_ =	swait.ge [sflag:s4], $0x8000  }
0x1d: {  	[sflag:s4] =	ssyncset.done $0x0  }
.LBB2_2:
0x1e: {  	[sflag:s4] =	ssyncadd.s32 $0xFFFF8000  }
0x1f: {  	_ =	sfence.sel $0x180000  }
0x20: {  	[bflag:$0x0] =	sbarrier.arrive $0xFFFF  }
0x21: {  	p0 =	sne.s32 s0, $0x0;
	_ =	strace $0x90000047  }
0x22: {  	s0 =	sadd.s32 @!p0 $0x100000, s1;
	[bflag:$0x2] =	sbarrier.arrive $0xFFFF  }
0x23: {  	[sflag:s0] =	ssyncadd.tile.s32 @!p0 $0x1;
	_ =	shalt  }
.Lfunc_end2:
_tile_overlayer_lowered:
.L_overlay_start_2:
0x24: {  	(tag) =	ssettag $0x2  }
0x25: {  	s0 =	rddreg [dreg:$0x0];
	s2 =	stileid.u32  }
0x26: {  	s1 =	rddreg [dreg:$0x1];
	p0 =	sne.s32 s2, $0x0  }
0x27: {  	s3 =	rddreg [dreg:$0x2];
	[bflag:$0x3] =	sbarrier.arrive $0xFFFF;
	s2 =	simm.s32 @!p0 $0x1C02  }
0x28: {  	[timem:s3], [sflag:s2] =	dma.local @!p0 [hbm:s0], s1  }
0x29: {  	s0 =	simm.s32 @!p0 $0x2  }
0x2a: {  	_ =	swait.ge @!p0 [sflag:s0], s1  }
0x2b: {  	s1 =	ssub.s32 @!p0 $0x0, s1;
	[sflag:s0] =	ssyncset.done @!p0 $0x0  }
0x2c: {  	[sflag:s0] =	ssyncadd.s32 @!p0 s1  }
0x2d: {  	[bflag:$0x3] =	sbarrier.arrive $0xFFFF  }
0x2e: {  	_ =	shalt  }

</sc_bundles>
